<compile_context>
chip_gen: v7x
topology: tpu7x:2x2x1
jax: 0.10.2.dev20260603
libtpu: 0.0.44.dev20260713+nightly
codegen_flags: <defaults>
</compile_context>

<pallas_src>
import functools

import jax
from jax import lax
import jax.numpy as jnp
from jax.experimental import pallas as pl
from jax.experimental.pallas import tpu as pltpu
from jax.experimental.pallas import tpu_sc as plsc

CB = 8192
D = 256
BETA = 0.25
BLK = 512


def _vq_step(x_ref, cb_ref, c2_ref, rs_ref,
             enc_hbm, idx_ref, loss_ref, perp_ref,
             buf_ref, counts_ref, accx_ref, accd_ref, sem, *, nblk, n_rows):
    i = pl.program_id(0)
    slot = lax.rem(i, 2)

    @pl.when(i == 0)
    def _init():
        counts_ref[...] = jnp.zeros_like(counts_ref)
        accx_ref[...] = jnp.zeros_like(accx_ref)
        accd_ref[...] = jnp.zeros_like(accd_ref)

    @pl.when(i >= 2)
    def _wait_prev():
        pltpu.make_async_copy(
            buf_ref.at[slot], enc_hbm.at[pl.ds((i - 2) * BLK, BLK), :], sem
        ).wait()

    himg = x_ref.shape[2]
    r = lax.rem(i, himg // BLK)
    xb = x_ref[0, :, pl.ds(r * BLK, BLK)]
    cb = cb_ref[...]
    c2 = c2_ref[...]
    x2 = jnp.sum(xb * xb, axis=0, keepdims=True).reshape(BLK, 1)

    xc = jax.lax.dot_general(xb, cb, (((0,), (1,)), ((), ())),
                             preferred_element_type=jnp.float32)
    d = (x2 + c2) - 2.0 * xc

    dmin = jnp.min(d, axis=1, keepdims=True)
    col = jax.lax.broadcasted_iota(jnp.int32, (BLK, CB), 1)
    idx = jnp.min(jnp.where(d == dmin, col, CB), axis=1)
    idx_ref[...] = idx.reshape(1, 1, BLK)

    onehot = (col == idx[:, None]).astype(jnp.float32)
    buf_ref[slot] = onehot
    pltpu.make_async_copy(
        buf_ref.at[slot], enc_hbm.at[pl.ds(i * BLK, BLK), :], sem
    ).start()
    ones_row = jnp.ones((1, BLK), jnp.float32)
    counts_ref[...] += jax.lax.dot_general(
        ones_row, onehot, (((1,), (0,)), ((), ())),
        preferred_element_type=jnp.float32)

    accx_ref[...] += jnp.sum(xb, axis=1, keepdims=True)
    accd_ref[...] += jnp.sum(dmin).reshape(1, 1)

    @pl.when(i == nblk - 1)
    def _finish():
        total = jnp.float32(n_rows * D)
        counts = counts_ref[...]
        s1 = jnp.sum(accx_ref[...]) - jnp.sum(counts * rs_ref[...])
        s2 = accd_ref[0, 0]
        loss_ref[...] = (BETA * (s1 / total) + s2 / total).reshape(1, 1)
        e_mean = counts / jnp.float32(n_rows)
        ent = -jnp.sum(e_mean * jnp.log(e_mean + 1e-10))
        perp_ref[...] = jnp.exp(ent).reshape(1, 1)
        pltpu.make_async_copy(
            buf_ref.at[0], enc_hbm.at[pl.ds(0, BLK), :], sem).wait()
        pltpu.make_async_copy(
            buf_ref.at[1], enc_hbm.at[pl.ds(0, BLK), :], sem).wait()


@functools.cache
def _make_sc_gather(n_rows):
    info = plsc.get_sparse_core_info()
    nc, ns = info.num_cores, info.num_subcores
    nw = nc * ns
    rows_per_w = n_rows // nw

    @functools.partial(
        pl.kernel,
        mesh=plsc.VectorSubcoreMesh(core_axis_name="c", subcore_axis_name="s"),
        out_type=jax.ShapeDtypeStruct((n_rows, D), jnp.float32),
        scratch_types=[
            pltpu.VMEM((rows_per_w,), jnp.int32),
            pltpu.VMEM((rows_per_w, D), jnp.float32),
            pltpu.SemaphoreType.DMA,
        ],
    )
    def _sc_gather(table_hbm, idx_hbm, out_hbm, idx_v, rows_v, sem):
        wid = lax.axis_index("s") * nc + lax.axis_index("c")
        base = wid * rows_per_w
        pltpu.sync_copy(idx_hbm.at[pl.ds(base, rows_per_w)], idx_v)
        pltpu.async_copy(table_hbm.at[idx_v], rows_v, sem).wait()
        pltpu.sync_copy(rows_v, out_hbm.at[pl.ds(base, rows_per_w)])

    return _sc_gather


@jax.jit
def kernel(x, codebook):
    b, c, h, w = x.shape
    n = b * h * w
    nblk = n // BLK
    hblk = BLK // w
    c2 = jnp.sum(codebook ** 2, axis=1).reshape(1, CB)
    rs = jnp.sum(codebook, axis=1).reshape(1, CB)

    grid = (nblk,)
    out_shapes = (
        jax.ShapeDtypeStruct((n, CB), jnp.float32),
        jax.ShapeDtypeStruct((nblk, 1, BLK), jnp.int32),
        jax.ShapeDtypeStruct((1, 1), jnp.float32),
        jax.ShapeDtypeStruct((1, 1), jnp.float32),
    )
    enc, idx3, loss, perp = pl.pallas_call(
        functools.partial(_vq_step, nblk=nblk, n_rows=n),
        grid=grid,
        in_specs=[
            pl.BlockSpec((1, D, h * w),
                         lambda i, p=(h * w) // BLK: (i // p, 0, 0)),
            pl.BlockSpec((CB, D), lambda i: (0, 0)),
            pl.BlockSpec((1, CB), lambda i: (0, 0)),
            pl.BlockSpec((1, CB), lambda i: (0, 0)),
        ],
        out_specs=(
            pl.BlockSpec(memory_space=pl.ANY),
            pl.BlockSpec((1, 1, BLK), lambda i: (i, 0, 0)),
            pl.BlockSpec((1, 1), lambda i: (0, 0)),
            pl.BlockSpec((1, 1), lambda i: (0, 0)),
        ),
        out_shape=out_shapes,
        scratch_shapes=[pltpu.VMEM((2, BLK, CB), jnp.float32),
                        pltpu.VMEM((1, CB), jnp.float32),
                        pltpu.VMEM((D, 1), jnp.float32),
                        pltpu.VMEM((1, 1), jnp.float32),
                        pltpu.SemaphoreType.DMA],
        compiler_params=pltpu.CompilerParams(
            vmem_limit_bytes=100 * 1024 * 1024),
    )(x.reshape(b, c, h * w), codebook, c2, rs)

    min_encoding_indices = idx3.reshape(n, 1)
    xqf = _make_sc_gather(n)(codebook, idx3.reshape(n))
    x_quantized = jnp.transpose(xqf.reshape(b, h, w, c), (0, 3, 1, 2))
    return (x_quantized, loss.reshape(()), perp.reshape(()),
            enc, min_encoding_indices)

# --- scband reference (transcript-rebuilt; emitter-appended) ---
"""Pipeline reference for scband-vector-quantizer-30039001268585 (READ-ONLY COPY).

The authoritative reference and input builder live on the scoring server;
editing this copy changes nothing except your own understanding.
"""

import jax, jax.numpy as jnp
import numpy as np

CODEBOOK_SIZE = 8192
TOKEN_SIZE = 256
BETA = 0.25

def setup_inputs(seed: int = 0):
    key = jax.random.key(seed)
    k1, k2 = jax.random.split(key)
    x = jax.random.normal(k1, (4, TOKEN_SIZE, 32, 32), dtype=jnp.float32)
    codebook = jax.random.uniform(k2, (CODEBOOK_SIZE, TOKEN_SIZE), dtype=jnp.float32, minval=-1.0 / CODEBOOK_SIZE, maxval=1.0 / CODEBOOK_SIZE)
    return {"x": x, "codebook": codebook}

def reference(x, codebook):
    sg = jax.lax.stop_gradient
    b, c, h, w = x.shape
    xp = jnp.transpose(x, (0, 2, 3, 1))  # b h w c
    xf = xp.reshape(-1, c)
    d = jnp.sum(xf ** 2, axis=1, keepdims=True) + jnp.sum(codebook ** 2, axis=1) - 2.0 * jnp.einsum('bd,dn->bn', xf, jnp.transpose(codebook))
    min_encoding_indices = jnp.argmin(d, axis=1)[:, None]
    n = min_encoding_indices.shape[0]
    min_encodings = jnp.zeros((n, codebook.shape[0]), dtype=x.dtype).at[jnp.arange(n), min_encoding_indices[:, 0]].set(1.0)
    x_quantized = jnp.take(codebook, min_encoding_indices[:, 0], axis=0).reshape(xp.shape)
    loss = BETA * jnp.mean(sg(xp) - x_quantized) + jnp.mean((xp - sg(x_quantized)) ** 2)
    x_quantized = xp + sg(x_quantized - xp)
    e_mean = jnp.mean(min_encodings, axis=0)
    perplexity = jnp.exp(-jnp.sum(e_mean * jnp.log(e_mean + 1e-10)))
    x_quantized = jnp.transpose(x_quantized, (0, 3, 1, 2))  # b c h w
    return (x_quantized, loss, perplexity, min_encodings, min_encoding_indices)

if __name__ == "__main__":
    import jax
    _d = setup_inputs()
    print(jax.jit(kernel)(*tuple(_d.values())))

</pallas_src>

<mosaic_0001>
#map = affine_map<(d0, d1) -> (0, 0)>
#map1 = affine_map<(d0, d1) -> (0)>
module attributes {stable_mosaic.version = 14 : i64} {
  func.func @_sc_gather(%arg0: i32, %arg1: i32, %arg2: memref<8192x256xf32, #tpu.memory_space<hbm>>, %arg3: memref<4096xi32, #tpu.memory_space<hbm>>, %arg4: memref<4096x256xf32, #tpu.memory_space<hbm>>, %arg5: memref<128xi32, #tpu.memory_space<vmem>>, %arg6: memref<128x256xf32, #tpu.memory_space<vmem>>, %arg7: memref<!tpu.dma_semaphore, #tpu.memory_space<semaphore_mem>>) attributes {dimension_semantics = [#tpu.dimension_semantics<core_parallel>, #tpu.dimension_semantics<subcore_parallel>], iteration_bounds = array<i64: 2, 16>, scalar_prefetch = 0 : i64, scratch_operands = 3 : i64, tpu.core_type = #tpu.core_type<sc_vector_subcore>, window_params = [{transform_indices = #map}, {transform_indices = #map1}, {transform_indices = #map}]} {
    %mul3A = arith.constant 2 : i32
    %mul3A_0 = arith.muli %arg1, %mul3A : i32
    %add3A = arith.addi %mul3A_0, %arg0 : i32
    %mul3A_1 = arith.constant 128 : i32
    %mul3A_2 = arith.muli %add3A, %mul3A_1 : i32
    "tpu.region"() ({
      %run_scoped3A = tpu.sem_alloc : memref<!tpu.dma_semaphore, #tpu.memory_space<semaphore_mem>>
      %dma_start3A_7 = tpu.memref_slice %arg3[%mul3A_2] : memref<4096xi32, #tpu.memory_space<hbm>> -> memref<128xi32, #tpu.memory_space<hbm>>
      %dma_start3A_8 = tpu.memref_slice %arg3[%mul3A_2] : memref<4096xi32, #tpu.memory_space<hbm>> -> memref<128xi32, #tpu.memory_space<hbm>>
      tpu.enqueue_dma source(%dma_start3A_8 : memref<128xi32, #tpu.memory_space<hbm>>) target(%arg5 : memref<128xi32, #tpu.memory_space<vmem>>) target_semaphore(%run_scoped3A : memref<!tpu.dma_semaphore, #tpu.memory_space<semaphore_mem>>)
      %dma_wait3A_9 = tpu.memref_slice %arg3[%mul3A_2] : memref<4096xi32, #tpu.memory_space<hbm>> -> memref<128xi32, #tpu.memory_space<hbm>>
      %dma_wait3A_10 = tpu.memref_slice %arg3[%mul3A_2] : memref<4096xi32, #tpu.memory_space<hbm>> -> memref<128xi32, #tpu.memory_space<hbm>>
      tpu.wait_dma2 semaphore(%run_scoped3A : memref<!tpu.dma_semaphore, #tpu.memory_space<semaphore_mem>>) src(%dma_wait3A_10 : memref<128xi32, #tpu.memory_space<hbm>>) dst(%arg5 : memref<128xi32, #tpu.memory_space<vmem>>)
      tpu.yield
    }) : () -> ()
    %dma_start3A = arith.constant 0 : i32
    %dma_start3A_3 = arith.constant 0 : i32
    %dma_start3A_4 = tpu.memref_slice %arg2[%dma_start3A, %dma_start3A_3] : memref<8192x256xf32, #tpu.memory_space<hbm>> -> memref<8192x256xf32, #tpu.memory_space<hbm>>
    tpu.enqueue_indirect_dma source(%dma_start3A_4 : memref<8192x256xf32, #tpu.memory_space<hbm>>) target(%arg6 : memref<128x256xf32, #tpu.memory_space<vmem>>) offsets(%arg5 : memref<128xi32, #tpu.memory_space<vmem>>) semaphore(%arg7 : memref<!tpu.dma_semaphore, #tpu.memory_space<semaphore_mem>>)
    %dma_wait3A = arith.constant 0 : i32
    %dma_wait3A_5 = arith.constant 0 : i32
    %dma_wait3A_6 = tpu.memref_slice %arg2[%dma_wait3A, %dma_wait3A_5] : memref<8192x256xf32, #tpu.memory_space<hbm>> -> memref<8192x256xf32, #tpu.memory_space<hbm>>
    tpu.wait_indirect_dma semaphore(%arg7 : memref<!tpu.dma_semaphore, #tpu.memory_space<semaphore_mem>>) src(%dma_wait3A_6 : memref<8192x256xf32, #tpu.memory_space<hbm>>) dst(%arg6 : memref<128x256xf32, #tpu.memory_space<vmem>>)
    "tpu.region"() ({
      %run_scoped3A = tpu.sem_alloc : memref<!tpu.dma_semaphore, #tpu.memory_space<semaphore_mem>>
      %dma_start3A_7 = arith.constant 0 : i32
      %dma_start3A_8 = tpu.memref_slice %arg4[%mul3A_2, %dma_start3A_7] : memref<4096x256xf32, #tpu.memory_space<hbm>> -> memref<128x256xf32, #tpu.memory_space<hbm>>
      %dma_start3A_9 = arith.constant 0 : i32
      %dma_start3A_10 = tpu.memref_slice %arg4[%mul3A_2, %dma_start3A_9] : memref<4096x256xf32, #tpu.memory_space<hbm>> -> memref<128x256xf32, #tpu.memory_space<hbm>>
      tpu.enqueue_dma source(%arg6 : memref<128x256xf32, #tpu.memory_space<vmem>>) target(%dma_start3A_10 : memref<128x256xf32, #tpu.memory_space<hbm>>) target_semaphore(%run_scoped3A : memref<!tpu.dma_semaphore, #tpu.memory_space<semaphore_mem>>)
      %dma_wait3A_11 = arith.constant 0 : i32
      %dma_wait3A_12 = tpu.memref_slice %arg4[%mul3A_2, %dma_wait3A_11] : memref<4096x256xf32, #tpu.memory_space<hbm>> -> memref<128x256xf32, #tpu.memory_space<hbm>>
      %dma_wait3A_13 = arith.constant 0 : i32
      %dma_wait3A_14 = tpu.memref_slice %arg4[%mul3A_2, %dma_wait3A_13] : memref<4096x256xf32, #tpu.memory_space<hbm>> -> memref<128x256xf32, #tpu.memory_space<hbm>>
      tpu.wait_dma2 semaphore(%run_scoped3A : memref<!tpu.dma_semaphore, #tpu.memory_space<semaphore_mem>>) src(%arg6 : memref<128x256xf32, #tpu.memory_space<vmem>>) dst(%dma_wait3A_14 : memref<128x256xf32, #tpu.memory_space<hbm>>)
      tpu.yield
    }) : () -> ()
    return
  }
}

module attributes {stable_mosaic.version = 14 : i64} {
  func.func @_vq_step(%arg0: i32, %arg1: memref<1x256x1024xf32, #tpu.memory_space<vmem>>, %arg2: memref<8192x256xf32, #tpu.memory_space<vmem>>, %arg3: memref<1x8192xf32, #tpu.memory_space<vmem>>, %arg4: memref<1x8192xf32, #tpu.memory_space<vmem>>, %arg5: memref<4096x8192xf32, #tpu.memory_space<any>>, %arg6: memref<1x1x512xi32, #tpu.memory_space<vmem>>, %arg7: memref<1x1xf32, #tpu.memory_space<vmem>>, %arg8: memref<1x1xf32, #tpu.memory_space<vmem>>, %arg9: memref<2x512x8192xf32, #tpu.memory_space<vmem>>, %arg10: memref<1x8192xf32, #tpu.memory_space<vmem>>, %arg11: memref<256x1xf32, #tpu.memory_space<vmem>>, %arg12: memref<1x1xf32, #tpu.memory_space<vmem>>, %arg13: memref<!tpu.dma_semaphore, #tpu.memory_space<semaphore_mem>>) attributes {dimension_semantics = [#tpu.dimension_semantics<arbitrary>], iteration_bounds = array<i64: 8>, scalar_prefetch = 0 : i64, scratch_operands = 5 : i64, tpu.core_type = #tpu.core_type<tc>, window_params = [{transform_indices = @transform_0, window_bounds = array<i64: 1, 256, 1024>}, {pipeline_mode = #tpu.pipeline_mode<synchronous>, transform_indices = @transform_1, window_bounds = array<i64: 8192, 256>}, {pipeline_mode = #tpu.pipeline_mode<synchronous>, transform_indices = @transform_2, window_bounds = array<i64: 1, 8192>}, {pipeline_mode = #tpu.pipeline_mode<synchronous>, transform_indices = @transform_3, window_bounds = array<i64: 1, 8192>}, {}, {transform_indices = @transform_5, window_bounds = array<i64: 1, 1, 512>}, {pipeline_mode = #tpu.pipeline_mode<synchronous>, transform_indices = @transform_6, window_bounds = array<i64: 1, 1>}, {pipeline_mode = #tpu.pipeline_mode<synchronous>, transform_indices = @transform_7, window_bounds = array<i64: 1, 1>}]} {
    %rem3A = arith.constant 2 : i32
    %rem3A_0 = arith.remsi %arg0, %rem3A : i32
    %eq3A = arith.constant 0 : i32
    %eq3A_1 = arith.cmpi eq, %arg0, %eq3A : i32
    %convert_element_type3A = arith.extui %eq3A_1 : i1 to i32
    %cond3A = arith.constant 0 : i32
    %cond3A_2 = arith.cmpi ne, %convert_element_type3A, %cond3A : i32
    scf.if %cond3A_2 {
      %broadcast_in_dim3A_96 = arith.constant 0.000000e+00 : f32
      %broadcast_in_dim3A_97 = vector.broadcast %broadcast_in_dim3A_96 : f32 to vector<1x8192xf32>
      %swap3A_98 = arith.constant 0 : index
      %swap3A_99 = arith.constant 0 : index
      %swap3A_100 = vector.load %arg10[%swap3A_98, %swap3A_99] : memref<1x8192xf32, #tpu.memory_space<vmem>>, vector<1x8192xf32>
      tpu.vector_store %arg10[%swap3A_98, %swap3A_99], %broadcast_in_dim3A_97 {strides = array<i32>} : memref<1x8192xf32, #tpu.memory_space<vmem>>, vector<1x8192xf32>,
      %broadcast_in_dim3A_101 = arith.constant 0.000000e+00 : f32
      %broadcast_in_dim3A_102 = vector.broadcast %broadcast_in_dim3A_101 : f32 to vector<256x1xf32>
      %swap3A_103 = arith.constant 0 : index
      %swap3A_104 = arith.constant 0 : index
      %swap3A_105 = vector.load %arg11[%swap3A_103, %swap3A_104] : memref<256x1xf32, #tpu.memory_space<vmem>>, vector<256x1xf32>
      tpu.vector_store %arg11[%swap3A_103, %swap3A_104], %broadcast_in_dim3A_102 {strides = array<i32>} : memref<256x1xf32, #tpu.memory_space<vmem>>, vector<256x1xf32>,
      %broadcast_in_dim3A_106 = arith.constant 0.000000e+00 : f32
      %broadcast_in_dim3A_107 = vector.broadcast %broadcast_in_dim3A_106 : f32 to vector<1x1xf32>
      %swap3A_108 = arith.constant 0 : index
      %swap3A_109 = arith.constant 0 : index
      %swap3A_110 = vector.load %arg12[%swap3A_108, %swap3A_109] : memref<1x1xf32, #tpu.memory_space<vmem>>, vector<1x1xf32>
      tpu.vector_store %arg12[%swap3A_108, %swap3A_109], %broadcast_in_dim3A_107 {strides = array<i32>} : memref<1x1xf32, #tpu.memory_space<vmem>>, vector<1x1xf32>,
    } else {
    }
    %ge3A = arith.constant 2 : i32
    %ge3A_3 = arith.cmpi sge, %arg0, %ge3A : i32
    %convert_element_type3A_4 = arith.extui %ge3A_3 : i1 to i32
    %cond3A_5 = arith.constant 0 : i32
    %cond3A_6 = arith.cmpi ne, %convert_element_type3A_4, %cond3A_5 : i32
    scf.if %cond3A_6 {
      %sub3A_96 = arith.constant 2 : i32
      %sub3A_97 = arith.subi %arg0, %sub3A_96 : i32
      %mul3A_98 = arith.constant 512 : i32
      %mul3A_99 = arith.muli %sub3A_97, %mul3A_98 : i32
      %dma_wait3A = arith.constant 0 : i32
      %dma_wait3A_100 = tpu.memref_slice %arg5[%mul3A_99, %dma_wait3A] : memref<4096x8192xf32, #tpu.memory_space<any>> -> memref<512x8192xf32, #tpu.memory_space<any>>
      %dma_wait3A_101 = arith.constant 0 : i32
      %dma_wait3A_102 = arith.constant 0 : i32
      %dma_wait3A_103 = tpu.memref_slice %arg9[%rem3A_0, %dma_wait3A_101, %dma_wait3A_102] : memref<2x512x8192xf32, #tpu.memory_space<vmem>> -> memref<1x512x8192xf32, #tpu.memory_space<vmem>>
      %dma_wait3A_104 = tpu.memref_squeeze %dma_wait3A_103 : memref<1x512x8192xf32, #tpu.memory_space<vmem>> -> memref<512x8192xf32, #tpu.memory_space<vmem>>
      tpu.wait_dma2 semaphore(%arg13 : memref<!tpu.dma_semaphore, #tpu.memory_space<semaphore_mem>>) src(%dma_wait3A_104 : memref<512x8192xf32, #tpu.memory_space<vmem>>) dst(%dma_wait3A_100 : memref<512x8192xf32, #tpu.memory_space<any>>)
    } else {
    }
    %rem3A_7 = arith.constant 2 : i32
    %rem3A_8 = arith.remsi %arg0, %rem3A_7 : i32
    %mul3A = arith.constant 512 : i32
    %mul3A_9 = arith.muli %rem3A_8, %mul3A : i32
    %get3A = arith.constant 0 : index
    %get3A_10 = arith.constant 0 : index
    %get3A_11 = arith.index_cast %mul3A_9 : i32 to index
    %get3A_12 = vector.load %arg1[%get3A, %get3A_10, %get3A_11] : memref<1x256x1024xf32, #tpu.memory_space<vmem>>, vector<1x256x512xf32>
    %get3A_13 = vector.shape_cast %get3A_12 : vector<1x256x512xf32> to vector<256x512xf32>
    %get3A_14 = arith.constant 0 : index
    %get3A_15 = arith.constant 0 : index
    %get3A_16 = vector.load %arg2[%get3A_14, %get3A_15] : memref<8192x256xf32, #tpu.memory_space<vmem>>, vector<8192x256xf32>
    %get3A_17 = arith.constant 0 : index
    %get3A_18 = arith.constant 0 : index
    %get3A_19 = vector.load %arg3[%get3A_17, %get3A_18] : memref<1x8192xf32, #tpu.memory_space<vmem>>, vector<1x8192xf32>
    %mul3A_20 = arith.mulf %get3A_13, %get3A_13 : vector<256x512xf32>
    %reduce_sum3A = arith.constant dense<0.000000e+00> : vector<512xf32>
    %reduce_sum3A_21 = vector.multi_reduction <add>, %mul3A_20, %reduce_sum3A [0] : vector<256x512xf32> to vector<512xf32>
    %broadcast_in_dim3A = vector.shape_cast %reduce_sum3A_21 : vector<512xf32> to vector<1x512xf32>
    %reshape3A = vector.shape_cast %broadcast_in_dim3A : vector<1x512xf32> to vector<512x1xf32>
    %dot_general3A = arith.constant dense<0.000000e+00> : vector<512x8192xf32>
    %dot_general3A_22 = tpu.matmul %get3A_13, %get3A_16, %dot_general3A {dimension_numbers = #tpu.dot_dimension_numbers<[0], [1], [1], [0], [0, 1, 1, 0], [], []>, transpose_lhs_hint = false} : vector<256x512xf32>, vector<8192x256xf32>, vector<512x8192xf32> -> vector<512x8192xf32>
    %add3A = vector.broadcast %reshape3A : vector<512x1xf32> to vector<512x8192xf32>
    %add3A_23 = vector.broadcast %get3A_19 : vector<1x8192xf32> to vector<512x8192xf32>
    %add3A_24 = arith.addf %add3A, %add3A_23 : vector<512x8192xf32>
    %mul3A_25 = arith.constant 2.000000e+00 : f32
    %mul3A_26 = vector.broadcast %mul3A_25 : f32 to vector<512x8192xf32>
    %mul3A_27 = arith.mulf %mul3A_26, %dot_general3A_22 : vector<512x8192xf32>
    %sub3A = arith.subf %add3A_24, %mul3A_27 : vector<512x8192xf32>
    %reduce_min3A = arith.constant dense<0x7F800000> : vector<512xf32>
    %reduce_min3A_28 = vector.multi_reduction <minimumf>, %sub3A, %reduce_min3A [1] : vector<512x8192xf32> to vector<512xf32>
    %broadcast_in_dim3A_29 = vector.shape_cast %reduce_min3A_28 : vector<512xf32> to vector<512x1xf32>
    %iota3A = tpu.iota {dimensions = array<i32: 1>} : vector<512x8192xi32>
    %eq3A_30 = vector.broadcast %broadcast_in_dim3A_29 : vector<512x1xf32> to vector<512x8192xf32>
    %eq3A_31 = arith.cmpf oeq, %sub3A, %eq3A_30 : vector<512x8192xf32>
    %jit3A = arith.constant 8192 : i32
    %broadcast_in_dim3A_32 = vector.broadcast %jit3A : i32 to vector<512x8192xi32>
    %select_n3A = arith.select %eq3A_31, %iota3A, %broadcast_in_dim3A_32 : vector<512x8192xi1>, vector<512x8192xi32>
    %reduce_min3A_33 = arith.constant dense<2147483647> : vector<512xi32>
    %reduce_min3A_34 = vector.multi_reduction <minsi>, %select_n3A, %reduce_min3A_33 [1] : vector<512x8192xi32> to vector<512xi32>
    %reshape3A_35 = vector.shape_cast %reduce_min3A_34 : vector<512xi32> to vector<1x1x512xi32>
    %swap3A = arith.constant 0 : index
    %swap3A_36 = arith.constant 0 : index
    %swap3A_37 = arith.constant 0 : index
    %swap3A_38 = vector.load %arg6[%swap3A, %swap3A_36, %swap3A_37] : memref<1x1x512xi32, #tpu.memory_space<vmem>>, vector<1x1x512xi32>
    tpu.vector_store %arg6[%swap3A, %swap3A_36, %swap3A_37], %reshape3A_35 {strides = array<i32>} : memref<1x1x512xi32, #tpu.memory_space<vmem>>, vector<1x1x512xi32>,
    %broadcast_in_dim3A_39 = vector.shape_cast %reduce_min3A_34 : vector<512xi32> to vector<512x1xi32>
    %eq3A_40 = vector.broadcast %broadcast_in_dim3A_39 : vector<512x1xi32> to vector<512x8192xi32>
    %eq3A_41 = arith.cmpi eq, %iota3A, %eq3A_40 : vector<512x8192xi32>
    %convert_element_type3A_42 = arith.extui %eq3A_41 : vector<512x8192xi1> to vector<512x8192xi32>
    %convert_element_type3A_43 = arith.sitofp %convert_element_type3A_42 : vector<512x8192xi32> to vector<512x8192xf32>
    %swap3A_44 = arith.index_cast %rem3A_0 : i32 to index
    %swap3A_45 = arith.constant 0 : index
    %swap3A_46 = arith.constant 0 : index
    %swap3A_47 = vector.load %arg9[%swap3A_44, %swap3A_45, %swap3A_46] : memref<2x512x8192xf32, #tpu.memory_space<vmem>>, vector<1x512x8192xf32>
    %swap3A_48 = vector.shape_cast %swap3A_47 : vector<1x512x8192xf32> to vector<512x8192xf32>
    %swap3A_49 = vector.shape_cast %convert_element_type3A_43 : vector<512x8192xf32> to vector<1x512x8192xf32>
    tpu.vector_store %arg9[%swap3A_44, %swap3A_45, %swap3A_46], %swap3A_49 {strides = array<i32>} : memref<2x512x8192xf32, #tpu.memory_space<vmem>>, vector<1x512x8192xf32>,
    %mul3A_50 = arith.constant 512 : i32
    %mul3A_51 = arith.muli %arg0, %mul3A_50 : i32
    %dma_start3A = arith.constant 0 : i32
    %dma_start3A_52 = tpu.memref_slice %arg5[%mul3A_51, %dma_start3A] : memref<4096x8192xf32, #tpu.memory_space<any>> -> memref<512x8192xf32, #tpu.memory_space<any>>
    %dma_start3A_53 = arith.constant 0 : i32
    %dma_start3A_54 = arith.constant 0 : i32
    %dma_start3A_55 = tpu.memref_slice %arg9[%rem3A_0, %dma_start3A_53, %dma_start3A_54] : memref<2x512x8192xf32, #tpu.memory_space<vmem>> -> memref<1x512x8192xf32, #tpu.memory_space<vmem>>
    %dma_start3A_56 = tpu.memref_squeeze %dma_start3A_55 : memref<1x512x8192xf32, #tpu.memory_space<vmem>> -> memref<512x8192xf32, #tpu.memory_space<vmem>>
    tpu.enqueue_dma source(%dma_start3A_56 : memref<512x8192xf32, #tpu.memory_space<vmem>>) target(%dma_start3A_52 : memref<512x8192xf32, #tpu.memory_space<any>>) target_semaphore(%arg13 : memref<!tpu.dma_semaphore, #tpu.memory_space<semaphore_mem>>)
    %broadcast_in_dim3A_57 = arith.constant 1.000000e+00 : f32
    %broadcast_in_dim3A_58 = vector.broadcast %broadcast_in_dim3A_57 : f32 to vector<1x512xf32>
    %get3A_59 = arith.constant 0 : index
    %get3A_60 = arith.constant 0 : index
    %get3A_61 = vector.load %arg10[%get3A_59, %get3A_60] : memref<1x8192xf32, #tpu.memory_space<vmem>>, vector<1x8192xf32>
    %dot_general3A_62 = arith.constant dense<0.000000e+00> : vector<1x8192xf32>
    %dot_general3A_63 = tpu.matmul %broadcast_in_dim3A_58, %convert_element_type3A_43, %dot_general3A_62 {dimension_numbers = #tpu.dot_dimension_numbers<[1], [0], [0], [1], [0, 0, 1, 1], [], []>, transpose_lhs_hint = false} : vector<1x512xf32>, vector<512x8192xf32>, vector<1x8192xf32> -> vector<1x8192xf32>
    %add3A_64 = arith.addf %get3A_61, %dot_general3A_63 : vector<1x8192xf32>
    %swap3A_65 = arith.constant 0 : index
    %swap3A_66 = arith.constant 0 : index
    %swap3A_67 = vector.load %arg10[%swap3A_65, %swap3A_66] : memref<1x8192xf32, #tpu.memory_space<vmem>>, vector<1x8192xf32>
    tpu.vector_store %arg10[%swap3A_65, %swap3A_66], %add3A_64 {strides = array<i32>} : memref<1x8192xf32, #tpu.memory_space<vmem>>, vector<1x8192xf32>,
    %get3A_68 = arith.constant 0 : index
    %get3A_69 = arith.constant 0 : index
    %get3A_70 = vector.load %arg11[%get3A_68, %get3A_69] : memref<256x1xf32, #tpu.memory_space<vmem>>, vector<256x1xf32>
    %reduce_sum3A_71 = arith.constant dense<0.000000e+00> : vector<256xf32>
    %reduce_sum3A_72 = vector.multi_reduction <add>, %get3A_13, %reduce_sum3A_71 [1] : vector<256x512xf32> to vector<256xf32>
    %broadcast_in_dim3A_73 = vector.shape_cast %reduce_sum3A_72 : vector<256xf32> to vector<256x1xf32>
    %add3A_74 = arith.addf %get3A_70, %broadcast_in_dim3A_73 : vector<256x1xf32>
    %swap3A_75 = arith.constant 0 : index
    %swap3A_76 = arith.constant 0 : index
    %swap3A_77 = vector.load %arg11[%swap3A_75, %swap3A_76] : memref<256x1xf32, #tpu.memory_space<vmem>>, vector<256x1xf32>
    tpu.vector_store %arg11[%swap3A_75, %swap3A_76], %add3A_74 {strides = array<i32>} : memref<256x1xf32, #tpu.memory_space<vmem>>, vector<256x1xf32>,
    %get3A_78 = arith.constant 0 : index
    %get3A_79 = arith.constant 0 : index
    %get3A_80 = vector.load %arg12[%get3A_78, %get3A_79] : memref<1x1xf32, #tpu.memory_space<vmem>>, vector<1x1xf32>
    %reduce_sum3A_81 = vector.shape_cast %broadcast_in_dim3A_29 : vector<512x1xf32> to vector<1x512x1xf32>
    %reduce_sum3A_82 = arith.constant dense<0.000000e+00> : vector<1xf32>
    %reduce_sum3A_83 = vector.multi_reduction <add>, %reduce_sum3A_81, %reduce_sum3A_82 [1, 2] : vector<1x512x1xf32> to vector<1xf32>
    %reduce_sum3A_84 = vector.shape_cast %reduce_sum3A_83 : vector<1xf32> to vector<1x1x1xf32>
    %reduce_sum3A_85 = vector.extract %reduce_sum3A_84[0, 0, 0] : f32 from vector<1x1x1xf32>
    %reshape3A_86 = vector.broadcast %reduce_sum3A_85 : f32 to vector<1x1xf32>
    %add3A_87 = arith.addf %get3A_80, %reshape3A_86 : vector<1x1xf32>
    %swap3A_88 = arith.constant 0 : index
    %swap3A_89 = arith.constant 0 : index
    %swap3A_90 = vector.load %arg12[%swap3A_88, %swap3A_89] : memref<1x1xf32, #tpu.memory_space<vmem>>, vector<1x1xf32>
    tpu.vector_store %arg12[%swap3A_88, %swap3A_89], %add3A_87 {strides = array<i32>} : memref<1x1xf32, #tpu.memory_space<vmem>>, vector<1x1xf32>,
    %eq3A_91 = arith.constant 7 : i32
    %eq3A_92 = arith.cmpi eq, %arg0, %eq3A_91 : i32
    %convert_element_type3A_93 = arith.extui %eq3A_92 : i1 to i32
    %cond3A_94 = arith.constant 0 : i32
    %cond3A_95 = arith.cmpi ne, %convert_element_type3A_93, %cond3A_94 : i32
    scf.if %cond3A_95 {
      %get3A_96 = arith.constant 0 : index
      %get3A_97 = arith.constant 0 : index
      %get3A_98 = vector.load %arg10[%get3A_96, %get3A_97] : memref<1x8192xf32, #tpu.memory_space<vmem>>, vector<1x8192xf32>
      %get3A_99 = arith.constant 0 : index
      %get3A_100 = arith.constant 0 : index
      %get3A_101 = vector.load %arg11[%get3A_99, %get3A_100] : memref<256x1xf32, #tpu.memory_space<vmem>>, vector<256x1xf32>
      %reduce_sum3A_102 = vector.shape_cast %get3A_101 : vector<256x1xf32> to vector<1x256x1xf32>
      %reduce_sum3A_103 = arith.constant dense<0.000000e+00> : vector<1xf32>
      %reduce_sum3A_104 = vector.multi_reduction <add>, %reduce_sum3A_102, %reduce_sum3A_103 [1, 2] : vector<1x256x1xf32> to vector<1xf32>
      %reduce_sum3A_105 = vector.shape_cast %reduce_sum3A_104 : vector<1xf32> to vector<1x1x1xf32>
      %reduce_sum3A_106 = vector.extract %reduce_sum3A_105[0, 0, 0] : f32 from vector<1x1x1xf32>
      %get3A_107 = arith.constant 0 : index
      %get3A_108 = arith.constant 0 : index
      %get3A_109 = vector.load %arg4[%get3A_107, %get3A_108] : memref<1x8192xf32, #tpu.memory_space<vmem>>, vector<1x8192xf32>
      %mul3A_110 = arith.mulf %get3A_98, %get3A_109 : vector<1x8192xf32>
      %reduce_sum3A_111 = vector.shape_cast %mul3A_110 : vector<1x8192xf32> to vector<1x1x8192xf32>
      %reduce_sum3A_112 = arith.constant dense<0.000000e+00> : vector<1xf32>
      %reduce_sum3A_113 = vector.multi_reduction <add>, %reduce_sum3A_111, %reduce_sum3A_112 [1, 2] : vector<1x1x8192xf32> to vector<1xf32>
      %reduce_sum3A_114 = vector.shape_cast %reduce_sum3A_113 : vector<1xf32> to vector<1x1x1xf32>
      %reduce_sum3A_115 = vector.extract %reduce_sum3A_114[0, 0, 0] : f32 from vector<1x1x1xf32>
      %sub3A_116 = arith.subf %reduce_sum3A_106, %reduce_sum3A_115 : f32
      %get3A_117 = arith.constant 0 : index
      %get3A_118 = arith.constant 0 : index
      %get3A_119 = vector.load %arg12[%get3A_117, %get3A_118] : memref<1x1xf32, #tpu.memory_space<vmem>>, vector<1x1xf32>
      %get3A_120 = vector.extract %get3A_119[0, 0] : f32 from vector<1x1xf32>
      %div3A = arith.constant 0x49800000 : f32
      %div3A_121 = arith.divf %sub3A_116, %div3A : f32
      %mul3A_122 = arith.constant 2.500000e-01 : f32
      %mul3A_123 = arith.mulf %mul3A_122, %div3A_121 : f32
      %div3A_124 = arith.constant 0x49800000 : f32
      %div3A_125 = arith.divf %get3A_120, %div3A_124 : f32
      %add3A_126 = arith.addf %mul3A_123, %div3A_125 : f32
      %reshape3A_127 = vector.broadcast %add3A_126 : f32 to vector<1x1xf32>
      %swap3A_128 = arith.constant 0 : index
      %swap3A_129 = arith.constant 0 : index
      %swap3A_130 = vector.load %arg7[%swap3A_128, %swap3A_129] : memref<1x1xf32, #tpu.memory_space<vmem>>, vector<1x1xf32>
      tpu.vector_store %arg7[%swap3A_128, %swap3A_129], %reshape3A_127 {strides = array<i32>} : memref<1x1xf32, #tpu.memory_space<vmem>>, vector<1x1xf32>,
      %div3A_131 = arith.constant 4.096000e+03 : f32
      %div3A_132 = vector.broadcast %div3A_131 : f32 to vector<1x8192xf32>
      %div3A_133 = arith.divf %get3A_98, %div3A_132 : vector<1x8192xf32>
      %add3A_134 = arith.constant 1.000000e-10 : f32
      %add3A_135 = vector.broadcast %add3A_134 : f32 to vector<1x8192xf32>
      %add3A_136 = arith.addf %div3A_133, %add3A_135 : vector<1x8192xf32>
      %log3A = math.log %add3A_136 : vector<1x8192xf32>
      %mul3A_137 = arith.mulf %div3A_133, %log3A : vector<1x8192xf32>
      %reduce_sum3A_138 = vector.shape_cast %mul3A_137 : vector<1x8192xf32> to vector<1x1x8192xf32>
      %reduce_sum3A_139 = arith.constant dense<0.000000e+00> : vector<1xf32>
      %reduce_sum3A_140 = vector.multi_reduction <add>, %reduce_sum3A_138, %reduce_sum3A_139 [1, 2] : vector<1x1x8192xf32> to vector<1xf32>
      %reduce_sum3A_141 = vector.shape_cast %reduce_sum3A_140 : vector<1xf32> to vector<1x1x1xf32>
      %reduce_sum3A_142 = vector.extract %reduce_sum3A_141[0, 0, 0] : f32 from vector<1x1x1xf32>
      %neg3A = arith.constant 0.000000e+00 : f32
      %neg3A_143 = arith.subf %neg3A, %reduce_sum3A_142 : f32
      %exp3A = math.exp %neg3A_143 : f32
      %reshape3A_144 = vector.broadcast %exp3A : f32 to vector<1x1xf32>
      %swap3A_145 = arith.constant 0 : index
      %swap3A_146 = arith.constant 0 : index
      %swap3A_147 = vector.load %arg8[%swap3A_145, %swap3A_146] : memref<1x1xf32, #tpu.memory_space<vmem>>, vector<1x1xf32>
      tpu.vector_store %arg8[%swap3A_145, %swap3A_146], %reshape3A_144 {strides = array<i32>} : memref<1x1xf32, #tpu.memory_space<vmem>>, vector<1x1xf32>,
      %dma_wait3A = arith.constant 0 : i32
      %dma_wait3A_148 = arith.constant 0 : i32
      %dma_wait3A_149 = arith.constant 0 : i32
      %dma_wait3A_150 = tpu.memref_slice %arg5[%dma_wait3A_148, %dma_wait3A_149] : memref<4096x8192xf32, #tpu.memory_space<any>> -> memref<512x8192xf32, #tpu.memory_space<any>>
      %dma_wait3A_151 = arith.constant 0 : i32
      %dma_wait3A_152 = arith.constant 0 : i32
      %dma_wait3A_153 = tpu.memref_slice %arg9[%dma_wait3A, %dma_wait3A_151, %dma_wait3A_152] : memref<2x512x8192xf32, #tpu.memory_space<vmem>> -> memref<1x512x8192xf32, #tpu.memory_space<vmem>>
      %dma_wait3A_154 = tpu.memref_squeeze %dma_wait3A_153 : memref<1x512x8192xf32, #tpu.memory_space<vmem>> -> memref<512x8192xf32, #tpu.memory_space<vmem>>
      tpu.wait_dma2 semaphore(%arg13 : memref<!tpu.dma_semaphore, #tpu.memory_space<semaphore_mem>>) src(%dma_wait3A_154 : memref<512x8192xf32, #tpu.memory_space<vmem>>) dst(%dma_wait3A_150 : memref<512x8192xf32, #tpu.memory_space<any>>)
      %dma_wait3A_155 = arith.constant 1 : i32
      %dma_wait3A_156 = arith.constant 0 : i32
      %dma_wait3A_157 = arith.constant 0 : i32
      %dma_wait3A_158 = tpu.memref_slice %arg5[%dma_wait3A_156, %dma_wait3A_157] : memref<4096x8192xf32, #tpu.memory_space<any>> -> memref<512x8192xf32, #tpu.memory_space<any>>
      %dma_wait3A_159 = arith.constant 0 : i32
      %dma_wait3A_160 = arith.constant 0 : i32
      %dma_wait3A_161 = tpu.memref_slice %arg9[%dma_wait3A_155, %dma_wait3A_159, %dma_wait3A_160] : memref<2x512x8192xf32, #tpu.memory_space<vmem>> -> memref<1x512x8192xf32, #tpu.memory_space<vmem>>
      %dma_wait3A_162 = tpu.memref_squeeze %dma_wait3A_161 : memref<1x512x8192xf32, #tpu.memory_space<vmem>> -> memref<512x8192xf32, #tpu.memory_space<vmem>>
      tpu.wait_dma2 semaphore(%arg13 : memref<!tpu.dma_semaphore, #tpu.memory_space<semaphore_mem>>) src(%dma_wait3A_162 : memref<512x8192xf32, #tpu.memory_space<vmem>>) dst(%dma_wait3A_158 : memref<512x8192xf32, #tpu.memory_space<any>>)
    } else {
    }
    return
  }
  func.func @transform_0(%arg0: i32) -> (i32, i32, i32) {
    %jit3A = arith.constant 2 : i32
    %div3A = arith.divsi %arg0, %jit3A : i32
    %sign3A = arith.constant 0 : i32
    %sign3A_0 = arith.cmpi sgt, %arg0, %sign3A : i32
    %sign3A_1 = arith.extui %sign3A_0 : i1 to i32
    %sign3A_2 = arith.constant 0 : i32
    %sign3A_3 = arith.cmpi slt, %arg0, %sign3A_2 : i32
    %sign3A_4 = arith.extui %sign3A_3 : i1 to i32
    %sign3A_5 = arith.subi %sign3A_1, %sign3A_4 : i32
    %sign3A_6 = arith.constant 0 : i32
    %sign3A_7 = arith.cmpi sgt, %jit3A, %sign3A_6 : i32
    %sign3A_8 = arith.extui %sign3A_7 : i1 to i32
    %sign3A_9 = arith.constant 0 : i32
    %sign3A_10 = arith.cmpi slt, %jit3A, %sign3A_9 : i32
    %sign3A_11 = arith.extui %sign3A_10 : i1 to i32
    %sign3A_12 = arith.subi %sign3A_8, %sign3A_11 : i32
    %ne3A = arith.cmpi ne, %sign3A_5, %sign3A_12 : i32
    %rem3A = arith.remsi %arg0, %jit3A : i32
    %ne3A_13 = arith.constant 0 : i32
    %ne3A_14 = arith.cmpi ne, %rem3A, %ne3A_13 : i32
    %and3A = arith.andi %ne3A, %ne3A_14 : i1
    %sub3A = arith.constant 1 : i32
    %sub3A_15 = arith.subi %div3A, %sub3A : i32
    %select_n3A = arith.select %and3A, %sub3A_15, %div3A : i32
    %c0_i32 = arith.constant 0 : i32
    %c0_i32_16 = arith.constant 0 : i32
    %c0_i32_17 = arith.constant 0 : i32
    return %select_n3A, %c0_i32, %c0_i32_16 : i32, i32, i32
  }
  func.func @transform_1(%arg0: i32) -> (i32, i32) {
    %c0_i32 = arith.constant 0 : i32
    %c0_i32_0 = arith.constant 0 : i32
    %c0_i32_1 = arith.constant 0 : i32
    return %c0_i32, %c0_i32_0 : i32, i32
  }
  func.func @transform_2(%arg0: i32) -> (i32, i32) {
    %c0_i32 = arith.constant 0 : i32
    %c0_i32_0 = arith.constant 0 : i32
    %c0_i32_1 = arith.constant 0 : i32
    return %c0_i32, %c0_i32_0 : i32, i32
  }
  func.func @transform_3(%arg0: i32) -> (i32, i32) {
    %c0_i32 = arith.constant 0 : i32
    %c0_i32_0 = arith.constant 0 : i32
    %c0_i32_1 = arith.constant 0 : i32
    return %c0_i32, %c0_i32_0 : i32, i32
  }
  func.func @transform_5(%arg0: i32) -> (i32, i32, i32) {
    %c0_i32 = arith.constant 0 : i32
    %c0_i32_0 = arith.constant 0 : i32
    %c0_i32_1 = arith.constant 0 : i32
    return %arg0, %c0_i32, %c0_i32_0 : i32, i32, i32
  }
  func.func @transform_6(%arg0: i32) -> (i32, i32) {
    %c0_i32 = arith.constant 0 : i32
    %c0_i32_0 = arith.constant 0 : i32
    %c0_i32_1 = arith.constant 0 : i32
    return %c0_i32, %c0_i32_0 : i32, i32
  }
  func.func @transform_7(%arg0: i32) -> (i32, i32) {
    %c0_i32 = arith.constant 0 : i32
    %c0_i32_0 = arith.constant 0 : i32
    %c0_i32_1 = arith.constant 0 : i32
    return %c0_i32, %c0_i32_0 : i32, i32
  }
}

</mosaic_0001>

<sc_bundles>
// kernel: kernel.4.cloned.1.call-start
scs
__scs_entry_jumppad:
0x0: {  	(pc) =	sbr.rel $0x88, $3  }
0x1: {  	(tag) =	ssettag $0x0;
	lr =	simm.s32 $0x1  }
0x2: {  	[smem:$0x3F9F] =	sst lr;
	_ =	strace $0xD0000000  }
0x3: {  	_ = 	snop  }
0x4: {  	_ = 	snop  }
0x5: {  	_ = 	snop  }
0x6: {  	_ = 	snop  }
0x7: {  	_ = 	snop  }
__scs_overlays_trampoline_lowered:
0x8: {  	[smem:$0x3FAE] =	sst s0  }
0x9: {  	[smem:$0x3FAF] =	sst s1  }
0xa: {  	[smem:$0x3FB0] =	sst s2  }
0xb: {  	[smem:$0x3FB1] =	sst s3  }
0xc: {  	[smem:$0x3FB2] =	sst s4  }
0xd: {  	[smem:$0x3FB3] =	sst s5  }
0xe: {  	[smem:$0x3FB4] =	sst s6  }
0xf: {  	[smem:$0x3FB5] =	sst s7  }
0x10: {  	[smem:$0x3FB6] =	sst s8  }
0x11: {  	[smem:$0x3FB7] =	sst s9;
	s0 =	simm.s32 @!p0 $0x0  }
0x12: {  	s1 =	sld [smem:$0x3F9D];
	s0 =	simm.s32 @p0 $0x1  }
0x13: {  	[smem:$0x3FB8] =	sst s0;
	s0 =	simm.s32 @!p1 $0x0  }
0x14: {  	s2 =	sld [smem:$0x3F9C];
	s0 =	simm.s32 @p1 $0x1  }
0x15: {  	[smem:$0x3FB9] =	sst s0;
	s0 =	simm.s32 @!p2 $0x0  }
0x16: {  	s3 =	sld [smem:$0x3FDB];
	s0 =	simm.s32 @p2 $0x1  }
0x17: {  	s4 =	simm.s32 $0x1BF5;
	[smem:$0x3FBB] =	sst s0  }
0x18: {  	s0 =	sld [smem:$0x3F9E];
	_ =	swait.ge [sflag:s4], $0x0  }
0x19: {  	s7 =	sld [smem:$0x3F9F]  }
0x1a: {  	s8 =	sadd.s32 $0xFFFFE003, lr  }
0x1b: {  	s9 =	sadd.s32 $0xFFFFFEF7, lr;
	s5 =	simm.s32 $0xFFFFFFFF;
	p2 =	slt.u32 s8, $0xFFFFF086  }
0x1c: {  	p1 =	slt.u32 s9, $0xF7A;
	s5 =	simm.s32 @!p2 $0x0  }
0x1d: {  	s5 =	simm.s32 @p1 $0x1;
	p0 =	seq.s32 s7, s2  }
0x1e: {  	s7 =	smul.u32 @!p0 $0xF7A, s2;
	p2 =	seq.s32 @!p0 s5, $0x0  }
0x1f: {  	s9 =	smul.u32 $0xF7A, s1;
	s8 =	simm.s32 @!p0 $0x1BF5;
	p2 =	por !p2, p0  }
0x20: {  	[sflag:s8] =	ssyncset.s32 @!p0 $0xFFFFF086;
	s6 =	sadd.s32 @!p0 s3, s7;
	s7 =	simm.s32 @!p0 $0x108  }
0x21: {  	s3 =	sadd.s32 s3, s9;
	s6 =	sadd.s32 @!p0 $0x88, s6;
	s7 =	simm.s32 @p2 $0x1082  }
0x22: {  	[simem:s7], [sflag:s8] =	dma.local @!p0 [hbm:s6], $0xF7A  }
0x23: {  	s9 =	sor.u32 $0xD0000000, s2;
	s6 =	simm.s32 $0x108;
	_ =	swait.ge @!p0 [sflag:s8], $0x0  }
0x24: {  	s3 =	sadd.s32 $0x88, s3;
	s6 =	simm.s32 @!p1 $0x1082;
	[sflag:s4] =	ssyncset.s32 $0xFFFFF086  }
0x25: {  	[simem:s6], [sflag:s4] =	dma.local [hbm:s3], $0xF7A  }
0x26: {  	[smem:$0x3F9F] =	sst s1;
	(tag) =	ssettag s2;
	_ =	strace s9  }
0x27: {  	s1 =	sld [smem:$0x3FAF]  }
0x28: {  	s2 =	sld [smem:$0x3FB0]  }
0x29: {  	s4 =	sld [smem:$0x3FB2]  }
0x2a: {  	p0 =	seq.s32 s5, $0x0;
	s5 =	sld [smem:$0x3FB3]  }
0x2b: {  	s6 =	sld [smem:$0x3FB4]  }
0x2c: {  	s7 =	sld [smem:$0x3FB5]  }
0x2d: {  	s3 =	simm.s32 $0x108;
	s8 =	sld [smem:$0x3FB6]  }
0x2e: {  	s3 =	simm.s32 @!p0 $0x1082;
	s9 =	sld [smem:$0x3FB7]  }
0x2f: {  	lr =	sadd.s32 s0, s3;
	s0 =	sld [smem:$0x3FAE]  }
0x30: {  	s3 =	sld [smem:$0x3FB1]  }
0x31: {  	[smem:$0x3FBA] =	sst s10  }
0x32: {  	s10 =	sld [smem:$0x3FB8];
	_ =	sdelay $0x3  }
0x33: {  	p0 =	seq.s32 s10, $0x1;
	s10 =	sld [smem:$0x3FBA];
	_ =	sdelay $0x3  }
0x34: {  	[smem:$0x3FBA] =	sst s10  }
0x35: {  	s10 =	sld [smem:$0x3FB9];
	_ =	sdelay $0x3  }
0x36: {  	p1 =	seq.s32 s10, $0x1;
	s10 =	sld [smem:$0x3FBA];
	_ =	sdelay $0x3  }
0x37: {  	[smem:$0x3FBA] =	sst s10  }
0x38: {  	s10 =	sld [smem:$0x3FBB]  }
0x39: {  	_ = 	snop;
	(pc) =	sbr.ind lr, $3  }
0x3a: {  	_ = 	snop  }
0x3b: {  	_ = 	snop  }
0x3c: {  	p2 =	seq.s32 s10, $0x1;
	s10 =	sld [smem:$0x3FBA]  }
0x3d: {  	_ =	shalt  }
0x3e: {  	_ =	shalt  }
0x3f: {  	_ =	shalt  }
0x40: {  	_ =	shalt  }
0x41: {  	_ =	shalt  }
0x42: {  	_ =	shalt  }
0x43: {  	_ =	shalt  }
0x44: {  	_ =	shalt  }
0x45: {  	_ =	shalt  }
0x46: {  	_ =	shalt  }
0x47: {  	_ =	shalt  }
0x48: {  	_ =	shalt  }
0x49: {  	_ =	shalt  }
0x4a: {  	_ =	shalt  }
0x4b: {  	_ =	shalt  }
0x4c: {  	_ =	shalt  }
0x4d: {  	_ =	shalt  }
0x4e: {  	_ =	shalt  }
0x4f: {  	_ =	shalt  }
0x50: {  	_ =	shalt  }
0x51: {  	_ =	shalt  }
0x52: {  	_ =	shalt  }
0x53: {  	_ =	shalt  }
0x54: {  	_ =	shalt  }
0x55: {  	_ =	shalt  }
0x56: {  	_ =	shalt  }
0x57: {  	_ =	shalt  }
0x58: {  	_ =	shalt  }
0x59: {  	_ =	shalt  }
0x5a: {  	_ =	shalt  }
0x5b: {  	_ =	shalt  }
0x5c: {  	_ =	shalt  }
0x5d: {  	_ =	shalt  }
0x5e: {  	_ =	shalt  }
0x5f: {  	_ =	shalt  }
0x60: {  	_ =	shalt  }
0x61: {  	_ =	shalt  }
0x62: {  	_ =	shalt  }
0x63: {  	_ =	shalt  }
0x64: {  	_ =	shalt  }
0x65: {  	_ =	shalt  }
0x66: {  	_ =	shalt  }
0x67: {  	_ =	shalt  }
0x68: {  	_ =	shalt  }
0x69: {  	_ =	shalt  }
0x6a: {  	_ =	shalt  }
0x6b: {  	_ =	shalt  }
0x6c: {  	_ =	shalt  }
0x6d: {  	_ =	shalt  }
0x6e: {  	_ =	shalt  }
0x6f: {  	_ =	shalt  }
0x70: {  	_ =	shalt  }
0x71: {  	_ =	shalt  }
0x72: {  	_ =	shalt  }
0x73: {  	_ =	shalt  }
0x74: {  	_ =	shalt  }
0x75: {  	_ =	shalt  }
0x76: {  	_ =	shalt  }
0x77: {  	_ =	shalt  }
0x78: {  	_ =	shalt  }
0x79: {  	_ =	shalt  }
0x7a: {  	_ =	shalt  }
0x7b: {  	_ =	shalt  }
0x7c: {  	_ =	shalt  }
0x7d: {  	_ =	shalt  }
0x7e: {  	_ =	shalt  }
0x7f: {  	_ =	shalt  }
0x80: {  	_ =	shalt  }
0x81: {  	_ =	shalt  }
0x82: {  	_ =	shalt  }
0x83: {  	_ =	shalt  }
0x84: {  	_ =	shalt  }
0x85: {  	_ =	shalt  }
0x86: {  	_ =	shalt  }
0x87: {  	_ =	shalt  }
.Lfunc_end0:
.L_simem_size_0:
called_computation_lowered:
.L_overlay_start_0:
0x88: {  	s2 =	sld [smem:$0x3FD9]  }
0x89: {  	s3 =	sld [smem:$0x3FFE];
	_ =	sdelay $0x1  }
0x8a: {  	s1 =	srdreg.scid  }
0x8b: {  	s0 =	sand.u32 $0x1, s1  }
0x8c: {  	s15 =	sshll.u32 s0, $0xA;
	s2 =	sadd.s32 s3, s2  }
0x8d: {  	s2 =	sadd.s32 s2, s15  }
0x8e: {  	[smem:$0x3FC6] =	sst s2  }
0x8f: {  	_ = 	snop  }
0x90: {  	s2 =	sld [smem:$0x3FD0];
	_ =	sdelay $0x2  }
0x91: {  	s4 =	simm.s32 $0xA;
	s5 =	simm.s32 $0x10;
	s16 =	sld [smem:$0x3FC8]  }
0x92: {  	[smem:s5], [sflag:s4] =	dma.local [hbm:s2], $0x1  }
0x93: {  	_ =	swait.eq [sflag:s4], $0x1  }
0x94: {  	[sflag:s4] =	ssyncset.done $0x0  }
0x95: {  	s17 =	sld [smem:$0x10];
	[sflag:s4] =	ssyncadd.s32 $0xFFFFFFFF  }
0x96: {  	s18 =	sld [smem:$0x14];
	(tm) =	ssettm $0x1  }
0x97: {  	s19 =	sld [smem:$0x3FFB];
	_ =	sdelay $0x3  }
0x98: {  	_ =	strace s19  }
0x99: {  	s5 =	sld [smem:$0x3FFC];
	_ =	sdelay $0x3  }
0x9a: {  	_ =	strace s5  }
0x9b: {  	s5 =	sld [smem:$0x3FFD];
	_ =	sdelay $0x3  }
0x9c: {  	_ =	strace s5  }
0x9d: {  	_ =	strace $0x8FFFFFFF  }
0x9e: {  	s20 =	sld [smem:$0x3FDB];
	_ =	sdelay $0x1  }
0x9f: {  	s6 =	simm.s32 $_scs_section_size  }
0xa0: {  	s7 =	simm.s32 $_size__tile_overlayer_lowered;
	s8 =	simm.s32 $_tile_overlayer_lowered  }
0xa1: {  	s23 =	simm.s32 $0x1BFF;
	s22 =	sshll.u32 s8, $0x1;
	s5 =	sadd.s32 s6, s20  }
0xa2: {  	s9 =	simm.s32 $0x0;
	s21 =	sshll.u32 s7, $0x1;
	s7 =	sadd.s32 s22, s5  }
0xa3: {  	[timem:s9], [sflag:s23] =	dma.local [hbm:s7], s21  }
0xa4: {  	_ =	swait.ge [sflag:s23], s21  }
0xa5: {  	s6 =	ssub.s32 $0x0, s21;
	[sflag:s23] =	ssyncset.done $0x0  }
0xa6: {  	[sflag:s23] =	ssyncadd.s32 s6;
	_ =	sdelay $0x1  }
0xa7: {  	s24 =	simm.s32 $0x1B8B  }
0xa8: {  	_ =	swait.ge [sflag:s24], $0x1  }
0xa9: {  	[sflag:s24] =	ssyncset.done $0x0  }
0xaa: {  	s25 =	simm.s32 $0x1B8E;
	[sflag:s24] =	ssyncadd.s32 $0xFFFFFFFF  }
0xab: {  	s26 =	simm.s32 $execute0_lowered;
	[smem:$0x3FD2] =	sst s25  }
0xac: {  	s6 =	sshll.u32 s26, $0x1;
	_ =	strace $0x80000046;
	[dreg:$0x1] =	wrdreg $0xFFFFFFFF  }
0xad: {  	s28 =	simm.s32 $_size_execute0_lowered;
	s5 =	sadd.s32 s5, s6;
	[dreg:$0x0] =	wrdreg $0x0  }
0xae: {  	s6 =	sshll.u32 s28, $0x1;
	[dreg:$0x2] =	wrdreg s5  }
0xaf: {  	[dreg:$0x3] =	wrdreg s6  }
0xb0: {  	[dreg:$0x4] =	wrdreg $0xC0  }
0xb1: {  	_ =	task [dreg:s9], $0x5FFFF  }
0xb2: {  	[dreg:$0x1] =	wrdreg $0xFFFFFFFF  }
0xb3: {  	[dreg:$0x0] =	wrdreg $0x60  }
0xb4: {  	[dreg:$0x2] =	wrdreg s16  }
0xb5: {  	[dreg:$0x3] =	wrdreg s18  }
0xb6: {  	[dreg:$0x4] =	wrdreg s17  }
0xb7: {  	[dreg:$0x5] =	wrdreg $0x9  }
0xb8: {  	_ =	task.clear_ibuf [dreg:s9], $0x6FFFF;
	_ =	strace $0x90000046  }
0xb9: {  	s29 =	simm.s32 $0x9;
	_ =	strace $0x80000048  }
0xba: {  	_ =	swait.ge [sflag:s29], $0x1  }
0xbb: {  	[sflag:s29] =	ssyncadd.s32 $0xFFFFFFFF  }
0xbc: {  	_ =	strace $0x90000048  }
0xbd: {  	_ =	sfence  }
0xbe: {  	s30 =	sld [smem:$0x0];
	_ =	sdelay $0x2  }
0xbf: {  	s31 =	sshll.u32 s1, $0xD;
	s1 =	sshrl.u32 s1, $0x2  }
0xc0: {  	s3 =	sand.u32 $0x4000, s31;
	s1 =	sadd.s32 s1, s30  }
0xc1: {  	s0 =	sor.u32 s3, s0;
	s1 =	sshll.u32 s1, $0x11  }
0xc2: {  	s0 =	sor.u32 s1, s0  }
0xc3: {  	s0 =	sadd.s32 $0x8F2B, s0  }
0xc4: {  	[sflag:s0] =	ssyncadd.remote.s32 $0x1  }
0xc5: {  	_ =	sfence.sel $0xFFFF  }
0xc6: {  	[dreg:$0x0] =	wrdreg $0xFFFFFFFF;
	(pc) =	sbr.abs _section_cstart, $3  }
0xc7: {  	[dreg:$0x1] =	wrdreg $0xFFFFFFFF  }
0xc8: {  	_ =	task.clear_ibuf [dreg:s9], $0x2FFFF;
	_ =	strace $0x9FFFFFFF  }
0xc9: {  	(tm) =	ssettm $0x7FFFFFFF  }
tec
execute0_lowered:
.L_overlay_start_1:
0x0: {  	(tag) =	ssettag $0x1  }
0x1: {  	s1 =	rddreg [dreg:$0x0]  }
0x2: {  	s4 =	rddreg [dreg:$0x1]  }
0x3: {  	s5 =	rddreg [dreg:$0x2]  }
0x4: {  	s0 =	rddreg [dreg:$0x3];
	s3 =	simm.s32 $0x0;
	s6 =	srdreg.scid  }
0x5: {  	s2 =	stileid.u32;
	s10 =	simm.s32 $0x1080;
	s11 =	simm.s32 $0x1880  }
0x6: {  	s12 =	simm.s32 $0x2080;
	s13 =	simm.s32 $0x2880;
	s14 =	simm.s32 $0x3080  }
0x7: {  	s15 =	simm.s32 $0x3880;
	s16 =	simm.s32 $0x4080;
	s17 =	simm.s32 $0x4880  }
0x8: {  	s18 =	simm.s32 $0x5080;
	s19 =	simm.s32 $0x5880;
	s20 =	simm.s32 $0x6080  }
0x9: {  	s21 =	simm.s32 $0x6880;
	s22 =	simm.s32 $0x7080;
	s23 =	simm.s32 $0x7880  }
0xa: {  	s24 =	simm.s32 $0x1;
	[smem:$0x7FF] =	sst s3;
	s6 =	sand.u32 $0x1, s6  }
0xb: {  	s8 =	sshll.u32 s2, $0x8;
	s7 =	ssub.s32 $0x2, s6;
	s6 =	sshll.u32 s6, $0x7  }
0xc: {  	_ =	strace $0x80000047;
	s9 =	sshrl.u32 s7, $0x1;
	s6 =	sor.u32 s6, s8  }
0xd: {  	v2 =	vlaneseq.u32;
	s7 =	ssub.s32 s7, s9;
	s8 =	sshrl.u32 s6, $0x3;
	s6 =	sshll.u32 s6, $0x5  }
0xe: {  	vm0 =	vmmov $0xffff;
	v1 =	vshrl.u32 v2, $0x3;
	s9 =	simm.s32 $0x880;
	s4 =	sadd.s32 s4, s8;
	s5 =	sadd.s32 s5, s6  }
0xf: {  	v0 =	vand.u32 $0x7, v2;
	v2 =	vor.u32 $0x8, v2;
	v1 =	vmul.u32 $0x8, v1;
	s6 =	smax.u32 s7, $0x1;
	s7 =	simm.s32 $0x2;
	s8 =	simm.s32 $0x80  }
.LBB2_1:
0x10: {  	[tilespmem:s3], [sflag:$0x2] =	stream.linear.gather [hbm4b:s4+s3], $0x80, $0x38;
	[tilespmem:$0x8080] =	vst v63  }
0x11: {  	_ =	swait.ge [sflag:s7], $0x80  }
0x12: {  	[sflag:s7] =	ssyncset.done $0x0  }
0x13: {  	[sflag:s7] =	ssyncadd.s32 $0xFFFFFF80  }
0x14: {  	v3 =	vld [tilespmem:$0x0];
	_ =	sdelay $0x4  }
0x15: {  	v4 =	vshll.u32 v3, $0x1  }
0x16: {  	v3 =	vand.u32 $0x7, v3;
	v4 =	vand.u32 $0xFFFFFFF0, v4  }
0x17: {  	v3 =	vor.u32 v3, v4  }
0x18: {  	v4 =	vperm.xlane v3, v0;
	_ =	sdelay $0x1  }
0x19: {  	v3 =	vperm.xlane v3, v2;
	v4 =	vadd.s32 v1, v4;
	_ =	sdelay $0x1  }
0x1a: {  	v3 =	vadd.s32 v1, v3;
	_ =	sdelay $0x2  }
0x1b: {  	[tilespmem:s8], [sflag:$0x1] =	stream.indirect_vreg.gather [hbm4b:s1+s3], $0x80, v4, vm0, $0xb8;
	[tilespmem:$0x8080] =	vst v63  }
0x1c: {  	_ = 	snop  }
0x1d: {  	[tilespmem:s9], [sflag:$0x1] =	stream.indirect_vreg.gather [hbm4b:s1+s3], $0x80, v3, vm0, $0xb8;
	[tilespmem:$0x8080] =	vst v63  }
0x1e: {  	v3 =	vld [tilespmem:$0x10];
	_ =	sdelay $0x4  }
0x1f: {  	v57 =	vshll.u32 v3, $0x1  }
0x20: {  	v3 =	vand.u32 $0x7, v3;
	v4 =	vand.u32 $0xFFFFFFF0, v57  }
0x21: {  	v3 =	vor.u32 v3, v4  }
0x22: {  	v4 =	vperm.xlane v3, v0;
	_ =	sdelay $0x1  }
0x23: {  	v3 =	vperm.xlane v3, v2;
	v4 =	vadd.s32 v1, v4;
	_ =	sdelay $0x1  }
0x24: {  	v3 =	vadd.s32 v1, v3;
	_ =	sdelay $0x2  }
0x25: {  	[tilespmem:s10], [sflag:$0x1] =	stream.indirect_vreg.gather [hbm4b:s1+s3], $0x80, v4, vm0, $0xb8;
	[tilespmem:$0x8080] =	vst v63  }
0x26: {  	_ = 	snop  }
0x27: {  	[tilespmem:s11], [sflag:$0x1] =	stream.indirect_vreg.gather [hbm4b:s1+s3], $0x80, v3, vm0, $0xb8;
	[tilespmem:$0x8080] =	vst v63  }
0x28: {  	v3 =	vld [tilespmem:$0x20];
	_ =	sdelay $0x4  }
0x29: {  	v58 =	vshll.u32 v3, $0x1  }
0x2a: {  	v3 =	vand.u32 $0x7, v3;
	v4 =	vand.u32 $0xFFFFFFF0, v58  }
0x2b: {  	v3 =	vor.u32 v3, v4  }
0x2c: {  	v4 =	vperm.xlane v3, v0;
	_ =	sdelay $0x1  }
0x2d: {  	v3 =	vperm.xlane v3, v2;
	v4 =	vadd.s32 v1, v4;
	_ =	sdelay $0x1  }
0x2e: {  	v3 =	vadd.s32 v1, v3;
	_ =	sdelay $0x2  }
0x2f: {  	[tilespmem:s12], [sflag:$0x1] =	stream.indirect_vreg.gather [hbm4b:s1+s3], $0x80, v4, vm0, $0xb8;
	[tilespmem:$0x8080] =	vst v63  }
0x30: {  	_ = 	snop  }
0x31: {  	[tilespmem:s13], [sflag:$0x1] =	stream.indirect_vreg.gather [hbm4b:s1+s3], $0x80, v3, vm0, $0xb8;
	[tilespmem:$0x8080] =	vst v63  }
0x32: {  	v3 =	vld [tilespmem:$0x30];
	_ =	sdelay $0x4  }
0x33: {  	v59 =	vshll.u32 v3, $0x1  }
0x34: {  	v3 =	vand.u32 $0x7, v3;
	v4 =	vand.u32 $0xFFFFFFF0, v59  }
0x35: {  	v3 =	vor.u32 v3, v4  }
0x36: {  	v4 =	vperm.xlane v3, v0;
	_ =	sdelay $0x1  }
0x37: {  	v3 =	vperm.xlane v3, v2;
	v4 =	vadd.s32 v1, v4;
	_ =	sdelay $0x1  }
0x38: {  	v3 =	vadd.s32 v1, v3;
	_ =	sdelay $0x2  }
0x39: {  	[tilespmem:s14], [sflag:$0x1] =	stream.indirect_vreg.gather [hbm4b:s1+s3], $0x80, v4, vm0, $0xb8;
	[tilespmem:$0x8080] =	vst v63  }
0x3a: {  	_ = 	snop  }
0x3b: {  	[tilespmem:s15], [sflag:$0x1] =	stream.indirect_vreg.gather [hbm4b:s1+s3], $0x80, v3, vm0, $0xb8;
	[tilespmem:$0x8080] =	vst v63  }
0x3c: {  	v3 =	vld [tilespmem:$0x40];
	_ =	sdelay $0x4  }
0x3d: {  	v60 =	vshll.u32 v3, $0x1  }
0x3e: {  	v3 =	vand.u32 $0x7, v3;
	v4 =	vand.u32 $0xFFFFFFF0, v60  }
0x3f: {  	v3 =	vor.u32 v3, v4  }
0x40: {  	v4 =	vperm.xlane v3, v0;
	_ =	sdelay $0x1  }
0x41: {  	v3 =	vperm.xlane v3, v2;
	v4 =	vadd.s32 v1, v4;
	_ =	sdelay $0x1  }
0x42: {  	v3 =	vadd.s32 v1, v3;
	_ =	sdelay $0x2  }
0x43: {  	[tilespmem:s16], [sflag:$0x1] =	stream.indirect_vreg.gather [hbm4b:s1+s3], $0x80, v4, vm0, $0xb8;
	[tilespmem:$0x8080] =	vst v63  }
0x44: {  	_ = 	snop  }
0x45: {  	[tilespmem:s17], [sflag:$0x1] =	stream.indirect_vreg.gather [hbm4b:s1+s3], $0x80, v3, vm0, $0xb8;
	[tilespmem:$0x8080] =	vst v63  }
0x46: {  	v3 =	vld [tilespmem:$0x50];
	_ =	sdelay $0x4  }
0x47: {  	v61 =	vshll.u32 v3, $0x1  }
0x48: {  	v3 =	vand.u32 $0x7, v3;
	v4 =	vand.u32 $0xFFFFFFF0, v61  }
0x49: {  	v3 =	vor.u32 v3, v4  }
0x4a: {  	v4 =	vperm.xlane v3, v0;
	_ =	sdelay $0x1  }
0x4b: {  	v3 =	vperm.xlane v3, v2;
	v4 =	vadd.s32 v1, v4;
	_ =	sdelay $0x1  }
0x4c: {  	v3 =	vadd.s32 v1, v3;
	_ =	sdelay $0x2  }
0x4d: {  	[tilespmem:s18], [sflag:$0x1] =	stream.indirect_vreg.gather [hbm4b:s1+s3], $0x80, v4, vm0, $0xb8;
	[tilespmem:$0x8080] =	vst v63  }
0x4e: {  	_ = 	snop  }
0x4f: {  	[tilespmem:s19], [sflag:$0x1] =	stream.indirect_vreg.gather [hbm4b:s1+s3], $0x80, v3, vm0, $0xb8;
	[tilespmem:$0x8080] =	vst v63  }
0x50: {  	v3 =	vld [tilespmem:$0x60];
	_ =	sdelay $0x4  }
0x51: {  	v62 =	vshll.u32 v3, $0x1  }
0x52: {  	v3 =	vand.u32 $0x7, v3;
	v4 =	vand.u32 $0xFFFFFFF0, v62  }
0x53: {  	v3 =	vor.u32 v3, v4  }
0x54: {  	v4 =	vperm.xlane v3, v0;
	_ =	sdelay $0x1  }
0x55: {  	v3 =	vperm.xlane v3, v2;
	v4 =	vadd.s32 v1, v4;
	_ =	sdelay $0x1  }
0x56: {  	v3 =	vadd.s32 v1, v3;
	_ =	sdelay $0x2  }
0x57: {  	[tilespmem:s20], [sflag:$0x1] =	stream.indirect_vreg.gather [hbm4b:s1+s3], $0x80, v4, vm0, $0xb8;
	[tilespmem:$0x8080] =	vst v63  }
0x58: {  	_ = 	snop  }
0x59: {  	[tilespmem:s21], [sflag:$0x1] =	stream.indirect_vreg.gather [hbm4b:s1+s3], $0x80, v3, vm0, $0xb8;
	[tilespmem:$0x8080] =	vst v63  }
0x5a: {  	v3 =	vld [tilespmem:$0x70];
	_ =	sdelay $0x4  }
0x5b: {  	v63 =	vshll.u32 v3, $0x1  }
0x5c: {  	v3 =	vand.u32 $0x7, v3;
	v4 =	vand.u32 $0xFFFFFFF0, v63  }
0x5d: {  	v3 =	vor.u32 v3, v4  }
0x5e: {  	v4 =	vperm.xlane v3, v0;
	_ =	sdelay $0x1  }
0x5f: {  	v3 =	vperm.xlane v3, v2;
	v4 =	vadd.s32 v1, v4;
	_ =	sdelay $0x1  }
0x60: {  	v3 =	vadd.s32 v1, v3;
	_ =	sdelay $0x2  }
0x61: {  	[tilespmem:s22], [sflag:$0x1] =	stream.indirect_vreg.gather [hbm4b:s1+s3], $0x80, v4, vm0, $0xb8;
	[tilespmem:$0x8080] =	vst v63  }
0x62: {  	_ = 	snop  }
0x63: {  	[tilespmem:s23], [sflag:$0x1] =	stream.indirect_vreg.gather [hbm4b:s1+s3], $0x80, v3, vm0, $0xb8;
	[tilespmem:$0x8080] =	vst v63  }
0x64: {  	_ =	swait.ge [sflag:s24], $0x8000  }
0x65: {  	p0 =	sne.s32 s6, $0x1;
	[sflag:s24] =	ssyncset.done $0x0  }
.Ltmp0:
0x66: {  	[sflag:s24] =	ssyncadd.s32 $0xFFFF8000;
	(pc) =	sbr.rel @p0 .LBB2_1-.Ltmp0, $4  }
0x67: {  	[hbm4b:s5+s3] =	stream.linear.scatter [tilespmem:s8], [sflag:$0x2], $0x8000, $0x38;
	[tilespmem:$0x8080] =	vst v63  }
0x68: {  	_ =	swait.ge [sflag:s7], $0x8000  }
0x69: {  	[sflag:s7] =	ssyncset.done $0x0  }
0x6a: {  	s6 =	sadd.s32 $0xFFFFFFFF, s6;
	[sflag:s7] =	ssyncadd.s32 $0xFFFF8000  }
0x6b: {  	_ =	sfence.sel $0x180000  }
0x6c: {  	[bflag:$0x0] =	sbarrier.arrive $0xFFFF  }
0x6d: {  	p0 =	sne.s32 s2, $0x0;
	_ =	strace $0x90000047  }
0x6e: {  	s0 =	sadd.s32 @!p0 $0x100000, s0;
	[bflag:$0x2] =	sbarrier.arrive $0xFFFF  }
0x6f: {  	[sflag:s0] =	ssyncadd.tile.s32 @!p0 $0x1;
	_ =	shalt  }
.Lfunc_end2:
_tile_overlayer_lowered:
.L_overlay_start_2:
0x70: {  	(tag) =	ssettag $0x2  }
0x71: {  	s0 =	rddreg [dreg:$0x0];
	s2 =	stileid.u32  }
0x72: {  	s1 =	rddreg [dreg:$0x1];
	p0 =	sne.s32 s2, $0x0  }
0x73: {  	s3 =	rddreg [dreg:$0x2];
	[bflag:$0x3] =	sbarrier.arrive $0xFFFF;
	s2 =	simm.s32 @!p0 $0x1C02  }
0x74: {  	[timem:s3], [sflag:s2] =	dma.local @!p0 [hbm:s0], s1  }
0x75: {  	s0 =	simm.s32 @!p0 $0x2  }
0x76: {  	_ =	swait.ge @!p0 [sflag:s0], s1  }
0x77: {  	s1 =	ssub.s32 @!p0 $0x0, s1;
	[sflag:s0] =	ssyncset.done @!p0 $0x0  }
0x78: {  	[sflag:s0] =	ssyncadd.s32 @!p0 s1  }
0x79: {  	[bflag:$0x3] =	sbarrier.arrive $0xFFFF  }
0x7a: {  	_ =	shalt  }

</sc_bundles>
